<compile_context>
chip_gen: v7x
topology: tpu7x:2x2x1
jax: 0.10.2.dev20260603
libtpu: 0.0.44.dev20260713+nightly
codegen_flags: <defaults>
</compile_context>

<pallas_src>
import jax
import jax.numpy as jnp
from jax.experimental import pallas as pl
from jax.experimental.pallas import tpu as pltpu


def _body(mod_ref, x_ref, cb_ref, out_ref):
    x = x_ref[0]
    cb = cb_ref[0]
    n, k = out_ref.shape[1], out_ref.shape[2]
    cross = jax.lax.dot_general(
        x, cb, (((1,), (1,)), ((), ())),
        preferred_element_type=jnp.float32)
    z2 = jnp.sum(x * x, axis=1, keepdims=True)
    c2 = jnp.sum(cb * cb, axis=1)[None, :]
    dists = z2 - 2.0 * cross + c2
    minval = jnp.min(dists, axis=1, keepdims=True)
    iota = jax.lax.broadcasted_iota(jnp.int32, (n, k), 1)
    code = jnp.min(jnp.where(dists == minval, iota, k), axis=1, keepdims=True)
    out_ref[0] = (iota == code).astype(jnp.int32)


def kernel(input, mod, codebooks):
    b, n, d = input.shape
    m, k, _ = codebooks.shape
    grid_spec = pltpu.PrefetchScalarGridSpec(
        num_scalar_prefetch=1,
        grid=(b,),
        in_specs=[
            pl.BlockSpec((1, n, d), lambda i, mod_ref: (i, 0, 0)),
            pl.BlockSpec((1, k, d), lambda i, mod_ref: (mod_ref[i], 0, 0)),
        ],
        out_specs=pl.BlockSpec((1, n, k), lambda i, mod_ref: (i, 0, 0)),
    )
    out = pl.pallas_call(
        _body,
        grid_spec=grid_spec,
        out_shape=jax.ShapeDtypeStruct((b, n, k), jnp.int32),
    )(mod, input, codebooks)
    return out.reshape(b, n * k)

# --- scband reference (transcript-rebuilt; emitter-appended) ---
"""Pipeline reference for scband-encoder-19902878449736 (READ-ONLY COPY).

The authoritative reference and input builder live on the scoring server;
editing this copy changes nothing except your own understanding.
"""

import jax, jax.numpy as jnp
import numpy as np

B, N, D = 16, 576, 64
K = 1024
M = 4

def setup_inputs(seed: int = 0) -> dict:
    key = jax.random.key(seed)
    k1, k2, k3 = jax.random.split(key, 3)
    inp = jax.random.normal(k1, (B, N, D), dtype=jnp.float32)
    mod = jax.random.randint(k2, (B,), 0, M, dtype=jnp.int32)
    codebooks = jax.random.normal(k3, (M, K, D), dtype=jnp.float32)
    return {"input": inp, "mod": mod, "codebooks": codebooks}

def reference(input, mod, codebooks):
    # vqvae.get_codes(input, mod): select per-modality codebook, nearest-neighbor
    # code assignment via squared L2 distance, argmin over K codes.
    cb = jnp.take(codebooks, mod, axis=0)  # [B, K, D] gather per-sample codebook
    z2 = jnp.sum(input * input, axis=-1, keepdims=True)          # [B, N, 1]
    c2 = jnp.sum(cb * cb, axis=-1)[:, None, :]                   # [B, 1, K]
    cross = jnp.einsum('bnd,bkd->bnk', input, cb)                # [B, N, K]
    dists = z2 - 2.0 * cross + c2                                # [B, N, K]
    codes = jnp.argmin(dists, axis=-1)                           # [B, N] int
    # F.one_hot(codes, num_embeddings) then reshape to (B, -1)
    onehot = jax.nn.one_hot(codes, K, dtype=jnp.int32)           # [B, N, K]
    return onehot.reshape(input.shape[0], -1)                    # [B, N*K]

if __name__ == "__main__":
    import jax
    _d = setup_inputs()
    print(jax.jit(kernel)(*tuple(_d.values())))

</pallas_src>

<mosaic_0001>
module attributes {stable_mosaic.version = 14 : i64} {
  func.func @_body(%arg0: i32, %arg1: memref<16xi32, #tpu.memory_space<smem>>, %arg2: memref<1x576x64xf32, #tpu.memory_space<vmem>>, %arg3: memref<1x1024x64xf32, #tpu.memory_space<vmem>>, %arg4: memref<1x576x1024xi32, #tpu.memory_space<vmem>>) attributes {dimension_semantics = [#tpu.dimension_semantics<arbitrary>], iteration_bounds = array<i64: 16>, scalar_prefetch = 1 : i64, scratch_operands = 0 : i64, tpu.core_type = #tpu.core_type<tc>, window_params = [{transform_indices = @transform_0, window_bounds = array<i64: 1, 576, 64>}, {transform_indices = @transform_1, window_bounds = array<i64: 1, 1024, 64>}, {transform_indices = @transform_2, window_bounds = array<i64: 1, 576, 1024>}]} {
    %get3A = arith.constant 0 : index
    %get3A_0 = arith.constant 0 : index
    %get3A_1 = arith.constant 0 : index
    %get3A_2 = vector.load %arg2[%get3A, %get3A_0, %get3A_1] : memref<1x576x64xf32, #tpu.memory_space<vmem>>, vector<1x576x64xf32>
    %get3A_3 = vector.shape_cast %get3A_2 : vector<1x576x64xf32> to vector<576x64xf32>
    %get3A_4 = arith.constant 0 : index
    %get3A_5 = arith.constant 0 : index
    %get3A_6 = arith.constant 0 : index
    %get3A_7 = vector.load %arg3[%get3A_4, %get3A_5, %get3A_6] : memref<1x1024x64xf32, #tpu.memory_space<vmem>>, vector<1x1024x64xf32>
    %get3A_8 = vector.shape_cast %get3A_7 : vector<1x1024x64xf32> to vector<1024x64xf32>
    %dot_general3A = arith.constant dense<0.000000e+00> : vector<576x1024xf32>
    %dot_general3A_9 = tpu.matmul %get3A_3, %get3A_8, %dot_general3A {dimension_numbers = #tpu.dot_dimension_numbers<[1], [1], [0], [0], [0, 0, 1, 0], [], []>, transpose_lhs_hint = false} : vector<576x64xf32>, vector<1024x64xf32>, vector<576x1024xf32> -> vector<576x1024xf32>
    %mul3A = arith.mulf %get3A_3, %get3A_3 : vector<576x64xf32>
    %reduce_sum3A = arith.constant dense<0.000000e+00> : vector<576xf32>
    %reduce_sum3A_10 = vector.multi_reduction <add>, %mul3A, %reduce_sum3A [1] : vector<576x64xf32> to vector<576xf32>
    %broadcast_in_dim3A = vector.shape_cast %reduce_sum3A_10 : vector<576xf32> to vector<576x1xf32>
    %mul3A_11 = arith.mulf %get3A_8, %get3A_8 : vector<1024x64xf32>
    %reduce_sum3A_12 = arith.constant dense<0.000000e+00> : vector<1024xf32>
    %reduce_sum3A_13 = vector.multi_reduction <add>, %mul3A_11, %reduce_sum3A_12 [1] : vector<1024x64xf32> to vector<1024xf32>
    %broadcast_in_dim3A_14 = vector.shape_cast %reduce_sum3A_13 : vector<1024xf32> to vector<1x1024xf32>
    %mul3A_15 = arith.constant 2.000000e+00 : f32
    %mul3A_16 = vector.broadcast %mul3A_15 : f32 to vector<576x1024xf32>
    %mul3A_17 = arith.mulf %mul3A_16, %dot_general3A_9 : vector<576x1024xf32>
    %sub3A = vector.broadcast %broadcast_in_dim3A : vector<576x1xf32> to vector<576x1024xf32>
    %sub3A_18 = arith.subf %sub3A, %mul3A_17 : vector<576x1024xf32>
    %add3A = vector.broadcast %broadcast_in_dim3A_14 : vector<1x1024xf32> to vector<576x1024xf32>
    %add3A_19 = arith.addf %sub3A_18, %add3A : vector<576x1024xf32>
    %reduce_min3A = arith.constant dense<0x7F800000> : vector<576xf32>
    %reduce_min3A_20 = vector.multi_reduction <minimumf>, %add3A_19, %reduce_min3A [1] : vector<576x1024xf32> to vector<576xf32>
    %broadcast_in_dim3A_21 = vector.shape_cast %reduce_min3A_20 : vector<576xf32> to vector<576x1xf32>
    %iota3A = tpu.iota {dimensions = array<i32: 1>} : vector<576x1024xi32>
    %eq3A = vector.broadcast %broadcast_in_dim3A_21 : vector<576x1xf32> to vector<576x1024xf32>
    %eq3A_22 = arith.cmpf oeq, %add3A_19, %eq3A : vector<576x1024xf32>
    %jit3A = arith.constant 1024 : i32
    %broadcast_in_dim3A_23 = vector.broadcast %jit3A : i32 to vector<576x1024xi32>
    %select_n3A = arith.select %eq3A_22, %iota3A, %broadcast_in_dim3A_23 : vector<576x1024xi1>, vector<576x1024xi32>
    %reduce_min3A_24 = arith.constant dense<2147483647> : vector<576xi32>
    %reduce_min3A_25 = vector.multi_reduction <minsi>, %select_n3A, %reduce_min3A_24 [1] : vector<576x1024xi32> to vector<576xi32>
    %broadcast_in_dim3A_26 = vector.shape_cast %reduce_min3A_25 : vector<576xi32> to vector<576x1xi32>
    %eq3A_27 = vector.broadcast %broadcast_in_dim3A_26 : vector<576x1xi32> to vector<576x1024xi32>
    %eq3A_28 = arith.cmpi eq, %iota3A, %eq3A_27 : vector<576x1024xi32>
    %convert_element_type3A = arith.extui %eq3A_28 : vector<576x1024xi1> to vector<576x1024xi32>
    %swap3A = arith.constant 0 : index
    %swap3A_29 = arith.constant 0 : index
    %swap3A_30 = arith.constant 0 : index
    %swap3A_31 = vector.load %arg4[%swap3A, %swap3A_29, %swap3A_30] : memref<1x576x1024xi32, #tpu.memory_space<vmem>>, vector<1x576x1024xi32>
    %swap3A_32 = vector.shape_cast %swap3A_31 : vector<1x576x1024xi32> to vector<576x1024xi32>
    %swap3A_33 = vector.shape_cast %convert_element_type3A : vector<576x1024xi32> to vector<1x576x1024xi32>
    tpu.vector_store %arg4[%swap3A, %swap3A_29, %swap3A_30], %swap3A_33 {strides = array<i32>} : memref<1x576x1024xi32, #tpu.memory_space<vmem>>, vector<1x576x1024xi32>,
    return
  }
  func.func @transform_0(%arg0: i32, %arg1: memref<16xi32, #tpu.memory_space<smem>>) -> (i32, i32, i32) {
    %c0_i32 = arith.constant 0 : i32
    %c0_i32_0 = arith.constant 0 : i32
    %c0_i32_1 = arith.constant 0 : i32
    return %arg0, %c0_i32, %c0_i32_0 : i32, i32, i32
  }
  func.func @transform_1(%arg0: i32, %arg1: memref<16xi32, #tpu.memory_space<smem>>) -> (i32, i32, i32) {
    %get3A = arith.index_cast %arg0 : i32 to index
    %get3A_0 = memref.load %arg1[%get3A] : memref<16xi32, #tpu.memory_space<smem>>
    %c0_i32 = arith.constant 0 : i32
    %c0_i32_1 = arith.constant 0 : i32
    %c0_i32_2 = arith.constant 0 : i32
    return %get3A_0, %c0_i32, %c0_i32_1 : i32, i32, i32
  }
  func.func @transform_2(%arg0: i32, %arg1: memref<16xi32, #tpu.memory_space<smem>>) -> (i32, i32, i32) {
    %c0_i32 = arith.constant 0 : i32
    %c0_i32_0 = arith.constant 0 : i32
    %c0_i32_1 = arith.constant 0 : i32
    return %arg0, %c0_i32, %c0_i32_0 : i32, i32, i32
  }
}

</mosaic_0001>

<sc_bundles>
// kernel: sparse-core-data-format-call.cloned.1.call-start
scs
called_computation_lowered:
.L_overlay_start_0:
0x0: {  	s2 =	sld [smem:$0x3FD9]  }
0x1: {  	s3 =	sld [smem:$0x3FFE];
	_ =	sdelay $0x1  }
0x2: {  	s1 =	srdreg.scid  }
0x3: {  	s0 =	sand.u32 $0x1, s1  }
0x4: {  	s18 =	sshll.u32 s0, $0xA;
	s2 =	sadd.s32 s3, s2  }
0x5: {  	s2 =	sadd.s32 s2, s18  }
0x6: {  	[smem:$0x3FC5] =	sst s2  }
0x7: {  	_ = 	snop  }
0x8: {  	s2 =	sld [smem:$0x3FD0];
	(tm) =	ssettm $0x1  }
0x9: {  	s19 =	sld [smem:$0x3FFB];
	_ =	sdelay $0x3  }
0xa: {  	_ =	strace s19  }
0xb: {  	s3 =	sld [smem:$0x3FFC];
	_ =	sdelay $0x3  }
0xc: {  	_ =	strace s3  }
0xd: {  	s3 =	sld [smem:$0x3FFD];
	_ =	sdelay $0x3  }
0xe: {  	_ =	strace s3  }
0xf: {  	_ =	strace $0x8FFFFFFF  }
0x10: {  	s20 =	sld [smem:$0x3FDB];
	_ =	sdelay $0x1  }
0x11: {  	s4 =	simm.s32 $_scs_section_size  }
0x12: {  	s5 =	simm.s32 $_size__tile_overlayer_lowered;
	s6 =	simm.s32 $_tile_overlayer_lowered  }
0x13: {  	s23 =	simm.s32 $0x1BFF;
	s22 =	sshll.u32 s6, $0x1;
	s3 =	sadd.s32 s4, s20  }
0x14: {  	s7 =	simm.s32 $0x0;
	s21 =	sshll.u32 s5, $0x1;
	s5 =	sadd.s32 s22, s3  }
0x15: {  	[timem:s7], [sflag:s23] =	dma.local [hbm:s5], s21  }
0x16: {  	_ =	swait.ge [sflag:s23], s21  }
0x17: {  	s4 =	ssub.s32 $0x0, s21;
	[sflag:s23] =	ssyncset.done $0x0  }
0x18: {  	[sflag:s23] =	ssyncadd.s32 s4;
	_ =	sdelay $0x1  }
0x19: {  	s24 =	simm.s32 $0x1B8B  }
0x1a: {  	_ =	swait.ge [sflag:s24], $0x1  }
0x1b: {  	[sflag:s24] =	ssyncset.done $0x0  }
0x1c: {  	s26 =	simm.s32 $0x1B8E;
	s25 =	sld [smem:$0x3FFE];
	[sflag:s24] =	ssyncadd.s32 $0xFFFFFFFF  }
0x1d: {  	s27 =	simm.s32 $execute0_lowered;
	[smem:$0x3FD2] =	sst s26  }
0x1e: {  	s5 =	sshll.u32 s27, $0x1;
	_ =	strace $0x80000046;
	[dreg:$0x1] =	wrdreg $0xFFFFFFFF  }
0x1f: {  	s28 =	simm.s32 $_size_execute0_lowered;
	s3 =	sadd.s32 s3, s5;
	[dreg:$0x0] =	wrdreg $0x0  }
0x20: {  	s5 =	sshll.u32 s28, $0x1;
	[dreg:$0x2] =	wrdreg s3  }
0x21: {  	[dreg:$0x3] =	wrdreg s5  }
0x22: {  	[dreg:$0x4] =	wrdreg $0xC0  }
0x23: {  	_ =	task [dreg:s7], $0x5FFFF  }
0x24: {  	[dreg:$0x1] =	wrdreg $0xFFFFFFFF  }
0x25: {  	[dreg:$0x0] =	wrdreg $0x60  }
0x26: {  	[dreg:$0x2] =	wrdreg s25  }
0x27: {  	[dreg:$0x3] =	wrdreg s2  }
0x28: {  	[dreg:$0x4] =	wrdreg $0x9  }
0x29: {  	_ =	task.clear_ibuf [dreg:s7], $0x5FFFF;
	_ =	strace $0x90000046  }
0x2a: {  	s29 =	simm.s32 $0x9;
	_ =	strace $0x80000048  }
0x2b: {  	_ =	swait.ge [sflag:s29], $0x1  }
0x2c: {  	[sflag:s29] =	ssyncadd.s32 $0xFFFFFFFF  }
0x2d: {  	_ =	strace $0x90000048  }
0x2e: {  	_ =	sfence  }
0x2f: {  	s30 =	sld [smem:$0x0];
	_ =	sdelay $0x2  }
0x30: {  	s31 =	sshll.u32 s1, $0xD;
	s1 =	sshrl.u32 s1, $0x2  }
0x31: {  	s3 =	sand.u32 $0x4000, s31;
	s1 =	sadd.s32 s1, s30  }
0x32: {  	s0 =	sor.u32 s3, s0;
	s1 =	sshll.u32 s1, $0x11  }
0x33: {  	s0 =	sor.u32 s1, s0  }
0x34: {  	s0 =	sadd.s32 $0x8F2B, s0  }
0x35: {  	[sflag:s0] =	ssyncadd.remote.s32 $0x1  }
0x36: {  	_ =	sfence.sel $0xFFFF  }
0x37: {  	[dreg:$0x0] =	wrdreg $0xFFFFFFFF;
	(pc) =	sbr.abs _section_cstart, $3  }
0x38: {  	[dreg:$0x1] =	wrdreg $0xFFFFFFFF  }
0x39: {  	_ =	task.clear_ibuf [dreg:s7], $0x2FFFF;
	_ =	strace $0x9FFFFFFF  }
0x3a: {  	(tm) =	ssettm $0x7FFFFFFF  }
0x3b: {  	_ =	shalt  }
tec
execute0_lowered:
.L_overlay_start_1:
0x0: {  	(tag) =	ssettag $0x1  }
0x1: {  	s0 =	rddreg [dreg:$0x0];
	s4 =	stileid.u32  }
0x2: {  	s1 =	srdreg.scid;
	_ =	strace $0x80000047;
	s31 =	simm.s32 $0x2  }
0x3: {  	s18 =	simm.s32 $0x0;
	s12 =	simm.s32 $0x2000;
	s13 =	simm.s32 $0x0  }
0x4: {  	s19 =	simm.s32 $0x0;
	s20 =	simm.s32 $0x0;
	s21 =	simm.s32 $0x0  }
0x5: {  	s2 =	sand.u32 $0x1, s4;
	s3 =	sshll.u32 s4, $0x2;
	s4 =	sshll.u32 s4, $0x5  }
0x6: {  	s1 =	sshll.u32 s1, $0x9;
	s3 =	sand.u32 $0x18, s3;
	s25 =	ssub.s32 $0x2, s2  }
0x7: {  	s1 =	sor.u32 s4, s1;
	s5 =	sshrl.u32 s25, $0x1;
	s7 =	ssub.s32 $0x240, s3  }
0x8: {  	s6 =	sand.u32 $0x1, s25;
	s4 =	sand.u32 $0x300, s1;
	s28 =	sand.u32 $0x18, s7  }
0x9: {  	s26 =	sadd.s32 s6, s5;
	s5 =	simm.s32 $0x1;
	p0 =	sne.s32 s28, $0x0  }
0xa: {  	s29 =	ssub.s32 $0x400, s4;
	s7 =	sshrl.u32 s7, $0x5;
	s5 =	simm.s32 @!p0 $0x0  }
0xb: {  	s15 =	simm.s32 $0x0;
	s8 =	sand.u32 $0x300, s29;
	s5 =	sadd.s32 s5, s7  }
0xc: {  	p0 =	sne.s32 s8, $0x0;
	s7 =	simm.s32 $0x1;
	s1 =	smul.u32 s26, s5  }
.Ltmp0:
0xd: {  	s6 =	sshrl.u32 s29, $0xA;
	s7 =	simm.s32 @!p0 $0x0;
	(pc) =	sbr.rel .LBB1_1-.Ltmp0, $4  }
0xe: {  	s17 =	simm.s32 $0x0;
	s27 =	simm.s32 $0x0;
	s30 =	sadd.s32 s7, s6  }
0xf: {  	s16 =	smov.u32 s2;
	s6 =	simm.s32 $0x1;
	s7 =	smul.u32 s30, s1  }
0x10: {  	s14 =	smov.u32 s3;
	s9 =	sshll.u32 s4, $0x3;
	[sflag:s6] =	ssyncpa.u1 $0x0  }
0x11: {  	s8 =	sadd.s32 $0x800, s0;
	[sflag:s31] =	ssyncpa.u1 $0x0;
	s10 =	sadd.s32 $0x1, s7  }
.LBB1_7:
0x12: {  	s0 =	sadd.s32 $0x20, s14  }
0x13: {  	s1 =	sadd.s32 $0x8, s15;
	s5 =	smov.u32 s15;
	p1 =	sgt.s32 s0, $0x23F  }
0x14: {  	s5 =	smov.u32 @p1 s1  }
0x15: {  	s11 =	sadd.s32 $0x2, s16;
	s22 =	smov.u32 s16;
	p2 =	sgt.s32 s5, $0x7  }
0x16: {  	s22 =	smov.u32 @p2 s11  }
0x17: {  	s0 =	smov.u32 @p1 s3;
	p1 =	sgt.s32 s22, $0x1  }
0x18: {  	p0 =	slt.u32 s17, $0x2;
	s22 =	smov.u32 @p1 s2;
	p1 =	sne.s32 s17, s10  }
.Ltmp1:
0x19: {  	s19 =	smov.u32 s14;
	s1 =	simm.s32 @!p0 $0x2;
	(pc) =	sbr.rel @!p1 .LBB1_8-.Ltmp1, $4  }
0x1a: {  	s20 =	smov.u32 s15;
	s21 =	smov.u32 s16;
	_ =	swait.ge @!p0 [sflag:s1], $0x4000  }
0x1b: {  	s13 =	sadd.s32 $0x4000, s13;
	s18 =	smov.u32 s4;
	[sflag:s1] =	ssyncset.done @!p0 $0x0  }
0x1c: {  	s14 =	smov.u32 s0;
	s5 =	simm.s32 @p2 $0x0;
	[sflag:s1] =	ssyncadd.s32 @!p0 $0xFFFFC000  }
0x1d: {  	s15 =	smov.u32 s5;
	s17 =	sadd.s32 $0x1, s17;
	s16 =	smov.u32 s22  }
.LBB1_1:
0x1e: {  	p0 =	sge.u32 s17, s7  }
0x1f: {  	s0 =	sshll.u32 @!p0 s14, $0xA  }
0x20: {  	s0 =	sand.u32 @!p0 $0xFFFFE000, s0  }
0x21: {  	s0 =	sor.u32 @!p0 s9, s0  }
0x22: {  	s0 =	sshrl.u32 @!p0 s0, $0xA  }
0x23: {  	s1 =	smulhi.u32 @!p0 $0x71C71D, s0  }
0x24: {  	s5 =	smul.u32 @!p0 $0x90000, s16  }
0x25: {  	s1 =	smul.u32 @!p0 $0x240, s1  }
0x26: {  	s31 =	sadd.s32 $0xFFFFFFFF, s17;
	s11 =	sxor.u32 @!p0 $0xFFFFFFFF, s17;
	s22 =	smul.u32 @!p0 $0x12000, s15  }
0x27: {  	s5 =	sadd.s32 @!p0 s8, s5;
	s0 =	ssub.s32 @!p0 s0, s1;
	s1 =	sshll.u32 @!p0 s14, $0x4  }
0x28: {  	s11 =	sshll.u32 @!p0 s11, $0xE;
	s5 =	sadd.s32 @!p0 s22, s5;
	s1 =	sand.u32 @!p0 $0x70, s1  }
0x29: {  	s11 =	sand.u32 @!p0 $0x4000, s11;
	s0 =	sshll.u32 @!p0 s0, $0x7;
	s1 =	sadd.s32 @!p0 s1, s5  }
0x2a: {  	s5 =	simm.s32 @!p0 $0x90000;
	s0 =	sadd.s32 @!p0 s0, s1;
	s1 =	simm.s32 @!p0 $0x800  }
0x2b: {  	[tilespmem:s11], [sflag:$0x1] =	stream.strided.gather @!p0 [hbm4b:s0+s1], $0x4000, s5, s1, $0x38;
	[tilespmem:$0x10000] =	vst v63  }
0x2c: {  	p0 =	sge.u32 s31, s7  }
.Ltmp2:
0x2d: {  	_ = 	snop;
	(pc) =	sbr.rel @p0 .LBB1_7-.Ltmp2, $1  }
0x2e: {  	_ =	sdelay $0x3  }
0x2f: {  	s0 =	sshll.u32 s13, $0x2;
	_ =	swait.ge [sflag:s6], $0x4000;
	s1 =	sshll.u32 s17, $0xE  }
0x30: {  	p0 =	por $0x0, $0x0;
	s28 =	simm.s32 $0x0;
	s29 =	simm.s32 $0x0  }
0x31: {  	s0 =	sand.u32 $0x10000, s0;
	[sflag:s6] =	ssyncset.done $0x0;
	s25 =	sand.u32 $0x4000, s1  }
0x32: {  	s0 =	sshrl.u32 s0, $0x2;
	[sflag:s6] =	ssyncadd.s32 $0xFFFFC000;
	s22 =	sor.u32 $0x8000, s25  }
0x33: {  	s23 =	sor.u32 $0x40, s0;
	s5 =	sor.u32 $0x8410, s0;
	s26 =	sadd.s32 $0x8400, s0  }
.LBB1_3:
0x34: {  	v1 =	vld [tilespmem:s23+$0xFFFFFFD0]  }
0x35: {  	v2 =	vld [tilespmem:s23+$0x430]  }
0x36: {  	s0 =	sshll.u32 s29, $0xB;
	v4 =	vld [tilespmem:s23+$0xFFFFFFE0]  }
0x37: {  	v7 =	vld [tilespmem:s23+$0xFFFFFFF0];
	v0 =	vmov s0  }
0x38: {  	v8 =	vld [tilespmem:s23+$0x0]  }
0x39: {  	s11 =	sand.u32 $0x300, s27;
	v9 =	vld [tilespmem:s23+$0x10]  }
0x3a: {  	s1 =	sand.u32 $0x80, s27;
	v10 =	vld [tilespmem:s23+$0x20];
	s0 =	sadd.s32 s11, s25  }
0x3b: {  	v11 =	vld [tilespmem:s23+$0x30];
	s0 =	sadd.s32 s1, s0;
	s1 =	simm.s32 $0x1;
	[tilespmem:s5+$0x60] =	vst v2  }
0x3c: {  	s24 =	sshll.u32 s28, $0x2;
	s1 =	simm.s32 @!p0 $0x0;
	[tilespmem:s5+$0xFFFFFC00] =	vst v1;
	v3 =	vld.idx.msk [tilespmem:v0+s0+$0x400 ss:$0x1], $0xffff  }
0x3d: {  	v6 =	vld [tilespmem:s23+$0x3D0];
	s1 =	sshll.u32 s1, $0x9;
	[tilespmem:s5+$0xFFFFFC10] =	vst v4;
	s0 =	sand.u32 $0xFFFFFC00, s24  }
0x3e: {  	v5 =	vld [tilespmem:s23+$0x3E0];
	[tilespmem:s5+$0xFFFFFC20] =	vst v7;
	s0 =	sor.u32 s1, s0  }
0x3f: {  	[tilespmem:s5+$0xFFFFFC30] =	vst v8;
	v4 =	vld [tilespmem:s23+$0x400];
	s0 =	sshrl.u32 s0, $0x2  }
0x40: {  	[tilespmem:s5+$0xFFFFFC40] =	vst v9;
	v1 =	vld [tilespmem:s23+$0x410];
	s30 =	sadd.s32 s0, s26  }
0x41: {  	[tilespmem:s30+$0x0] =	vst v3;
	v3 =	vld [tilespmem:s23+$0x3F0]  }
0x42: {  	s31 =	sadd.s32 $0x80, s23;
	[tilespmem:s5+$0xFFFFFC50] =	vst v10;
	v2 =	vld [tilespmem:s23+$0x420];
	s1 =	simm.s32 $0x80  }
0x43: {  	v7 =	vld [tilespmem:s23+$0xFFFFFFC0];
	[tilespmem:s5+$0xFFFFFC60] =	vst v11;
	s24 =	smov.u32 s5;
	s11 =	sand.u32 $0x300, s1;
	s0 =	simm.s32 $0x100  }
.LBB1_4:
0x44: {  	p1 =	sne.s32 s0, $0x380;
	v8 =	vld [tilespmem:s31+$0xFFFFFFD0];
	s1 =	sand.u32 $0x80, s1;
	s11 =	sadd.s32 s11, s25;
	[tilespmem:s24+$0x0] =	vst v6  }
0x45: {  	s11 =	sadd.s32 s1, s11;
	v6 =	vld [tilespmem:s31+$0x430];
	[tilespmem:s24+$0x10] =	vst v5;
	s1 =	smov.u32 s0  }
0x46: {  	v5 =	vld.idx.msk [tilespmem:v0+s11+$0x400 ss:$0x1], $0xffff;
	[tilespmem:s24+$0x20] =	vst v3  }
0x47: {  	v3 =	vld [tilespmem:s31+$0xFFFFFFE0];
	[tilespmem:s24+$0x30] =	vst v4  }
0x48: {  	v4 =	vld [tilespmem:s31+$0xFFFFFFF0];
	[tilespmem:s24+$0xFFFFFBF0] =	vst v7  }
0x49: {  	v7 =	vld [tilespmem:s31+$0x0];
	[tilespmem:s24+$0x40] =	vst v1  }
0x4a: {  	v1 =	vld [tilespmem:s31+$0x10];
	[tilespmem:s24+$0x50] =	vst v2;
	s24 =	sadd.s32 $0x800, s24  }
0x4b: {  	s30 =	sadd.s32 $0x800, s30;
	v2 =	vld [tilespmem:s31+$0x20];
	[tilespmem:s24+$0x60] =	vst v6  }
0x4c: {  	v9 =	vld [tilespmem:s31+$0x30];
	[tilespmem:s30+$0x0] =	vst v5  }
0x4d: {  	[tilespmem:s24+$0xFFFFFC00] =	vst v8;
	v6 =	vld [tilespmem:s31+$0x3D0]  }
0x4e: {  	[tilespmem:s24+$0xFFFFFC10] =	vst v3;
	v5 =	vld [tilespmem:s31+$0x3E0]  }
.Ltmp3:
0x4f: {  	[tilespmem:s24+$0xFFFFFC20] =	vst v4;
	v3 =	vld [tilespmem:s31+$0x3F0];
	(pc) =	sbr.rel @p1 .LBB1_4-.Ltmp3, $4  }
0x50: {  	[tilespmem:s24+$0xFFFFFC30] =	vst v7;
	v4 =	vld [tilespmem:s31+$0x400]  }
0x51: {  	[tilespmem:s24+$0xFFFFFC40] =	vst v1;
	v1 =	vld [tilespmem:s31+$0x410]  }
0x52: {  	[tilespmem:s24+$0xFFFFFC50] =	vst v2;
	v2 =	vld [tilespmem:s31+$0x420]  }
0x53: {  	s0 =	sadd.s32 $0x80, s0;
	s11 =	sand.u32 $0x300, s1;
	v7 =	vld [tilespmem:s31+$0xFFFFFFC0];
	[tilespmem:s24+$0xFFFFFC60] =	vst v9;
	s31 =	sadd.s32 $0x80, s31  }
0x54: {  	[tilespmem:s24+$0x0] =	vst v6  }
0x55: {  	[tilespmem:s24+$0x10] =	vst v5  }
0x56: {  	v49 =	vld [tilespmem:s31+$0x430];
	[tilespmem:s24+$0x20] =	vst v3  }
0x57: {  	v50 =	vld [tilespmem:s31+$0xFFFFFFD0];
	[tilespmem:s24+$0x30] =	vst v4  }
0x58: {  	v51 =	vld [tilespmem:s31+$0xFFFFFFE0];
	[tilespmem:s24+$0x40] =	vst v1  }
0x59: {  	v52 =	vld [tilespmem:s31+$0xFFFFFFF0];
	[tilespmem:s24+$0x50] =	vst v2  }
0x5a: {  	v53 =	vld [tilespmem:s31+$0x0];
	[tilespmem:s24+$0xFFFFFBF0] =	vst v7;
	s24 =	sadd.s32 $0x800, s24  }
0x5b: {  	v54 =	vld [tilespmem:s31+$0x10];
	[tilespmem:s24+$0x60] =	vst v49  }
0x5c: {  	v55 =	vld [tilespmem:s31+$0x20];
	[tilespmem:s24+$0xFFFFFC00] =	vst v50  }
0x5d: {  	v56 =	vld [tilespmem:s31+$0x30];
	[tilespmem:s24+$0xFFFFFC10] =	vst v51  }
0x5e: {  	v57 =	vld [tilespmem:s31+$0x3D0];
	[tilespmem:s24+$0xFFFFFC20] =	vst v52  }
0x5f: {  	v58 =	vld [tilespmem:s31+$0x3E0];
	[tilespmem:s24+$0xFFFFFC30] =	vst v53  }
0x60: {  	v59 =	vld [tilespmem:s31+$0x3F0];
	[tilespmem:s24+$0xFFFFFC40] =	vst v54  }
0x61: {  	v60 =	vld [tilespmem:s31+$0x400];
	[tilespmem:s24+$0xFFFFFC50] =	vst v55  }
0x62: {  	v61 =	vld [tilespmem:s31+$0xFFFFFFC0];
	[tilespmem:s24+$0xFFFFFC60] =	vst v56  }
0x63: {  	s0 =	sand.u32 $0x80, s1;
	s11 =	sadd.s32 s11, s25;
	v62 =	vld [tilespmem:s31+$0x410];
	[tilespmem:s24+$0x0] =	vst v57  }
0x64: {  	v63 =	vld [tilespmem:s31+$0x420];
	s29 =	sadd.s32 $0x1, s29;
	s0 =	sadd.s32 s0, s11;
	[tilespmem:s24+$0x10] =	vst v58  }
0x65: {  	p1 =	sne.s32 s29, $0x8;
	v0 =	vld.idx.msk [tilespmem:v0+s0+$0x400 ss:$0x1], $0xffff;
	[tilespmem:s24+$0x20] =	vst v59  }
.Ltmp4:
0x66: {  	[tilespmem:s24+$0x30] =	vst v60;
	(pc) =	sbr.rel @p1 .LBB1_3-.Ltmp4, $4  }
0x67: {  	[tilespmem:s24+$0xFFFFFBF0] =	vst v61  }
0x68: {  	[tilespmem:s24+$0x40] =	vst v62  }
0x69: {  	s30 =	sadd.s32 $0x800, s30;
	s23 =	sadd.s32 $0x800, s23;
	[tilespmem:s24+$0x50] =	vst v63  }
0x6a: {  	s28 =	sadd.s32 $0x80, s28;
	p0 =	por !p0, !p0;
	s5 =	sadd.s32 $0x80, s5;
	[tilespmem:s30+$0x0] =	vst v0  }
0x6b: {  	s0 =	smul.u32 $0x90000, s21  }
0x6c: {  	s5 =	rddreg [dreg:$0x1]  }
.Ltmp5:
0x6d: {  	s1 =	sshll.u32 s19, $0xA;
	s0 =	sadd.s32 s5, s0;
	(pc) =	sbr.rel .LBB1_7-.Ltmp5, $4  }
0x6e: {  	s29 =	sshll.u32 s20, $0x4;
	s0 =	sadd.s32 s1, s0  }
0x6f: {  	s30 =	sand.u32 $0x70, s29;
	s0 =	sadd.s32 s18, s0  }
0x70: {  	s31 =	simm.s32 $0x800;
	s0 =	sadd.s32 s30, s0  }
0x71: {  	[hbm4b:s0+s31] =	stream.strided.scatter [tilespmem:s22], [sflag:$0x2], $0x4000, s12, s31, $0x38;
	[tilespmem:$0x10000] =	vst v63  }
.LBB1_8:
0x72: {  	_ =	sfence.sel $0x180000  }
0x73: {  	s0 =	simm.s32 $0x1;
	[bflag:$0x0] =	sbarrier.arrive $0xFFFF  }
0x74: {  	s30 =	simm.s32 $0x2;
	[sflag:s0] =	ssyncpa.u1 $0x1  }
0x75: {  	[sflag:s30] =	ssyncpa.u1 $0x1  }
0x76: {  	_ =	strace $0x90000047  }
0x77: {  	s31 =	stileid.u32;
	[bflag:$0x2] =	sbarrier.arrive $0xFFFF  }
0x78: {  	p0 =	sne.s32 s31, $0x0;
	s0 =	rddreg [dreg:$0x2]  }
0x79: {  	s0 =	sadd.s32 @!p0 $0x100000, s0  }
0x7a: {  	[sflag:s0] =	ssyncadd.tile.s32 @!p0 $0x1;
	_ =	shalt  }
.Lfunc_end1:
_tile_overlayer_lowered:
.L_overlay_start_2:
0x7b: {  	(tag) =	ssettag $0x2  }
0x7c: {  	s0 =	rddreg [dreg:$0x0];
	s2 =	stileid.u32  }
0x7d: {  	s1 =	rddreg [dreg:$0x1];
	p0 =	sne.s32 s2, $0x0  }
0x7e: {  	s3 =	rddreg [dreg:$0x2];
	[bflag:$0x3] =	sbarrier.arrive $0xFFFF;
	s2 =	simm.s32 @!p0 $0x1C01  }
0x7f: {  	[timem:s3], [sflag:s2] =	dma.local @!p0 [hbm:s0], s1  }
0x80: {  	s0 =	simm.s32 @!p0 $0x1  }
0x81: {  	_ =	swait.ge @!p0 [sflag:s0], s1  }
0x82: {  	s1 =	ssub.s32 @!p0 $0x0, s1;
	[sflag:s0] =	ssyncset.done @!p0 $0x0  }
0x83: {  	[sflag:s0] =	ssyncadd.s32 @!p0 s1  }
0x84: {  	[bflag:$0x3] =	sbarrier.arrive $0xFFFF  }
0x85: {  	_ =	shalt  }

</sc_bundles>
